<compile_context>
chip_gen: v7x
topology: tpu7x:2x2x1
jax: 0.10.2.dev20260603
libtpu: 0.0.44.dev20260713+nightly
codegen_flags: <defaults>
</compile_context>

<pallas_src>
import functools

import jax
import jax.numpy as jnp
from jax import lax
from jax.experimental import pallas as pl
from jax.experimental.pallas import tpu as pltpu
from jax.experimental.pallas import tpu_sc as plsc

N = 10000
E = 320000
H = 128

NC = 2
NS = 16
NW = NC * NS
CH = 128
NCHUNK = 80
E_PAD = NW * NCHUNK * CH
DEPTH = 2
SEG = 40
NSEG = NCHUNK // SEG

N_ACC = 10112
ZROWS = N_ACC // NS


def _sc_aggregate(x, srcs, dsts, zeros):
    mesh = plsc.VectorSubcoreMesh(core_axis_name="c", subcore_axis_name="s")

    @functools.partial(
        pl.kernel,
        out_type=jax.ShapeDtypeStruct((NC, N_ACC, H), jnp.float32),
        mesh=mesh,
        scratch_types=[
            pltpu.VMEM((SEG, CH), jnp.int32),
            pltpu.VMEM((SEG, CH), jnp.int32),
            [pltpu.VMEM((CH, H), jnp.float32) for _ in range(DEPTH)],
            pltpu.VMEM_SHARED((N_ACC, H), jnp.float32),
            [pltpu.SemaphoreType.DMA for _ in range(DEPTH)],
        ],
    )
    def agg_kernel(x_hbm, srcs_hbm, dsts_hbm, zeros_hbm, out_hbm,
                   src_iv, dst_iv, bufs, acc_sh, gsems):
        c = lax.axis_index("c")
        s = lax.axis_index("s")
        wid = c * NS + s

        pltpu.sync_copy(zeros_hbm, acc_sh.at[pl.ds(s * ZROWS, ZROWS)])
        plsc.subcore_barrier()

        def seg_body(g, carry):
            pltpu.sync_copy(srcs_hbm.at[wid, pl.ds(g * SEG, SEG)], src_iv)
            pltpu.sync_copy(dsts_hbm.at[wid, pl.ds(g * SEG, SEG)], dst_iv)
            for b in range(DEPTH):
                pltpu.async_copy(x_hbm.at[src_iv.at[b]], bufs[b], gsems[b])

            def body(r, carry2):
                for b in range(DEPTH):
                    k = r * DEPTH + b
                    pltpu.make_async_copy(x_hbm.at[src_iv.at[k]], bufs[b],
                                          gsems[b]).wait()
                    pltpu.sync_copy(bufs[b], acc_sh.at[dst_iv.at[k]],
                                    add=True)
                    @pl.when(k + DEPTH < SEG)
                    def _():
                        pltpu.async_copy(x_hbm.at[src_iv.at[k + DEPTH]],
                                         bufs[b], gsems[b])
                return carry2

            lax.fori_loop(0, SEG // DEPTH, body, 0)
            return carry

        lax.fori_loop(0, NSEG, seg_body, 0)
        plsc.subcore_barrier()

        pltpu.sync_copy(acc_sh.at[pl.ds(s * ZROWS, ZROWS)],
                        out_hbm.at[c, pl.ds(s * ZROWS, ZROWS)])

    return agg_kernel(x, srcs, dsts, zeros)


def _tc_body(x_ref, agg_ref, w1_ref, b1_ref, w2_ref, b2_ref, g_ref, bt_ref,
             out_ref):
    h = x_ref[...] + agg_ref[0, :N] + agg_ref[1, :N]
    h = jnp.dot(h, w1_ref[...], preferred_element_type=jnp.float32)
    h = jnp.maximum(h + b1_ref[...], 0.0)
    h = jnp.dot(h, w2_ref[...], preferred_element_type=jnp.float32)
    h = h + b2_ref[...]
    mean = jnp.mean(h, axis=0, keepdims=True)
    var = jnp.mean((h - mean) * (h - mean), axis=0, keepdims=True)
    out_ref[...] = (h - mean) * lax.rsqrt(var + 1e-5) * g_ref[...] + bt_ref[...]


def kernel(x, edge_index, W1, b1, W2, b2, gamma, beta):
    src = edge_index[0].astype(jnp.int32)
    dst = edge_index[1].astype(jnp.int32)
    pad = E_PAD - E
    srcs = jnp.concatenate([src, jnp.zeros((pad,), jnp.int32)])
    dsts = jnp.concatenate([dst, jnp.full((pad,), N, jnp.int32)])
    srcs = srcs.reshape(NW, NCHUNK, CH)
    dsts = dsts.reshape(NW, NCHUNK, CH)
    zeros = jnp.zeros((ZROWS, H), jnp.float32)

    agg = _sc_aggregate(x, srcs, dsts, zeros)

    out = pl.pallas_call(
        _tc_body,
        out_shape=jax.ShapeDtypeStruct((N, H), jnp.float32),
    )(x, agg, W1, b1.reshape(1, H), W2, b2.reshape(1, H),
      gamma.reshape(1, H), beta.reshape(1, H))
    return out

# --- scband reference (transcript-rebuilt; emitter-appended) ---
"""Pipeline reference for scband-node-op-21114059227218 (READ-ONLY COPY).

The authoritative reference and input builder live on the scoring server;
editing this copy changes nothing except your own understanding.
"""

import jax, jax.numpy as jnp
import numpy as np

N = 10000
E = 320000
H = 128


def setup_inputs(seed: int = 0) -> dict:
    key = jax.random.key(seed)
    k1, k2, k3, k4 = jax.random.split(key, 4)
    x = jax.random.normal(k1, (N, H), dtype=jnp.float32)
    # edge_index: row 0 = src, row 1 = dst (values in [0, N))
    edge_index = jax.random.randint(k2, (2, E), 0, N)
    # GINConv MLP parameters: Linear(H,H) -> ReLU -> Linear(H,H)
    W1 = jax.random.normal(k3, (H, H), dtype=jnp.float32) * 0.05
    b1 = jnp.zeros((H,), dtype=jnp.float32)
    W2 = jax.random.normal(k4, (H, H), dtype=jnp.float32) * 0.05
    b2 = jnp.zeros((H,), dtype=jnp.float32)
    # BatchNorm1d affine params
    gamma = jnp.ones((H,), dtype=jnp.float32)
    beta = jnp.zeros((H,), dtype=jnp.float32)
    return {"x": x, "edge_index": edge_index, "W1": W1, "b1": b1, "W2": W2, "b2": b2, "gamma": gamma, "beta": beta}


def reference(x, edge_index, W1, b1, W2, b2, gamma, beta):
    # Node_OP with input_nums == 1: out = input[0][0] (no mean_weight mixing, no drop_path)
    # GIN_Triplet_unit.forward: relu(hidden) result is discarded (faithful to source);
    # conv is applied to the ORIGINAL hidden.
    src = edge_index[0]
    dst = edge_index[1]
    # GINConv (eps=0, sum aggregation): h = MLP((1+eps)*x + sum_{j in N(i)} x_j)
    msgs = jnp.take(x, src, axis=0)            # gather (memory-bound)
    agg = jax.ops.segment_sum(msgs, dst, num_segments=x.shape[0])  # scatter-add
    h = x + agg
    h = jnp.maximum(h @ W1 + b1, 0.0)
    h = h @ W2 + b2
    # BatchNorm1d (training-mode batch statistics, biased variance, eps=1e-5)
    mean = jnp.mean(h, axis=0)
    var = jnp.var(h, axis=0)
    out = (h - mean) / jnp.sqrt(var + 1e-5) * gamma + beta
    # add_activation=False (default); dropout is identity in eval mode
    return out

if __name__ == "__main__":
    import jax
    _d = setup_inputs()
    print(jax.jit(kernel)(*tuple(_d.values())))

</pallas_src>

<mosaic_0001>
#map = affine_map<(d0, d1) -> (0, 0)>
#map1 = affine_map<(d0, d1) -> (0, 0, 0)>
module attributes {stable_mosaic.version = 14 : i64} {
  func.func @agg_kernel(%arg0: i32, %arg1: i32, %arg2: memref<10000x128xf32, #tpu.memory_space<hbm>>, %arg3: memref<32x80x128xi32, #tpu.memory_space<hbm>>, %arg4: memref<32x80x128xi32, #tpu.memory_space<hbm>>, %arg5: memref<632x128xf32, #tpu.memory_space<hbm>>, %arg6: memref<2x10112x128xf32, #tpu.memory_space<hbm>>, %arg7: memref<40x128xi32, #tpu.memory_space<vmem>>, %arg8: memref<40x128xi32, #tpu.memory_space<vmem>>, %arg9: memref<128x128xf32, #tpu.memory_space<vmem>>, %arg10: memref<128x128xf32, #tpu.memory_space<vmem>>, %arg11: memref<10112x128xf32, #tpu.memory_space<vmem_shared>>, %arg12: memref<!tpu.dma_semaphore, #tpu.memory_space<semaphore_mem>>, %arg13: memref<!tpu.dma_semaphore, #tpu.memory_space<semaphore_mem>>) attributes {dimension_semantics = [#tpu.dimension_semantics<core_parallel>, #tpu.dimension_semantics<subcore_parallel>], iteration_bounds = array<i64: 2, 16>, scalar_prefetch = 0 : i64, scratch_operands = 7 : i64, tpu.core_type = #tpu.core_type<sc_vector_subcore>, window_params = [{transform_indices = #map}, {transform_indices = #map1}, {transform_indices = #map1}, {transform_indices = #map}, {transform_indices = #map1}]} {
    %mul3A = arith.constant 16 : i32
    %mul3A_0 = arith.muli %arg0, %mul3A : i32
    %add3A = arith.addi %mul3A_0, %arg1 : i32
    %mul3A_1 = arith.constant 632 : i32
    %mul3A_2 = arith.muli %arg1, %mul3A_1 : i32
    "tpu.region"() ({
      %run_scoped3A = tpu.sem_alloc : memref<!tpu.dma_semaphore, #tpu.memory_space<semaphore_mem>>
      %dma_start3A = arith.constant 0 : i32
      %dma_start3A_13 = tpu.memref_slice %arg11[%mul3A_2, %dma_start3A] : memref<10112x128xf32, #tpu.memory_space<vmem_shared>> -> memref<632x128xf32, #tpu.memory_space<vmem_shared>>
      tpu.enqueue_dma source(%arg5 : memref<632x128xf32, #tpu.memory_space<hbm>>) target(%dma_start3A_13 : memref<632x128xf32, #tpu.memory_space<vmem_shared>>) target_semaphore(%run_scoped3A : memref<!tpu.dma_semaphore, #tpu.memory_space<semaphore_mem>>)
      %dma_wait3A = arith.constant 0 : i32
      %dma_wait3A_14 = tpu.memref_slice %arg11[%mul3A_2, %dma_wait3A] : memref<10112x128xf32, #tpu.memory_space<vmem_shared>> -> memref<632x128xf32, #tpu.memory_space<vmem_shared>>
      tpu.wait_dma2 semaphore(%run_scoped3A : memref<!tpu.dma_semaphore, #tpu.memory_space<semaphore_mem>>) src(%arg5 : memref<632x128xf32, #tpu.memory_space<hbm>>) dst(%dma_wait3A_14 : memref<632x128xf32, #tpu.memory_space<vmem_shared>>)
      tpu.yield
    }) : () -> ()
    %barrier3A = arith.constant 0 : index
    tpu.barrier barrier_id(%barrier3A)
    %scan3A = arith.constant 0 : i32
    %scan3A_3 = arith.constant 0 : i32
    %scan3A_4 = arith.constant 2 : i32
    %scan3A_5 = arith.addi %scan3A_3, %scan3A_4 : i32
    %scan3A_6 = arith.constant 1 : i32
    scf.for %scan3A_13 = %scan3A_3 to %scan3A_5 step %scan3A_6  : i32 {
      %mul3A_14 = arith.constant 40 : i32
      %mul3A_15 = arith.muli %scan3A_13, %mul3A_14 : i32
      "tpu.region"() ({
        %run_scoped3A = tpu.sem_alloc : memref<!tpu.dma_semaphore, #tpu.memory_space<semaphore_mem>>
        %dma_start3A_37 = arith.constant 0 : i32
        %dma_start3A_38 = tpu.memref_slice %arg3[%add3A, %mul3A_15, %dma_start3A_37] : memref<32x80x128xi32, #tpu.memory_space<hbm>> -> memref<1x40x128xi32, #tpu.memory_space<hbm>>
        %dma_start3A_39 = tpu.memref_squeeze %dma_start3A_38 : memref<1x40x128xi32, #tpu.memory_space<hbm>> -> memref<40x128xi32, #tpu.memory_space<hbm>>
        %dma_start3A_40 = arith.constant 0 : i32
        %dma_start3A_41 = tpu.memref_slice %arg3[%add3A, %mul3A_15, %dma_start3A_40] : memref<32x80x128xi32, #tpu.memory_space<hbm>> -> memref<1x40x128xi32, #tpu.memory_space<hbm>>
        %dma_start3A_42 = tpu.memref_squeeze %dma_start3A_41 : memref<1x40x128xi32, #tpu.memory_space<hbm>> -> memref<40x128xi32, #tpu.memory_space<hbm>>
        tpu.enqueue_dma source(%dma_start3A_42 : memref<40x128xi32, #tpu.memory_space<hbm>>) target(%arg7 : memref<40x128xi32, #tpu.memory_space<vmem>>) target_semaphore(%run_scoped3A : memref<!tpu.dma_semaphore, #tpu.memory_space<semaphore_mem>>)
        %dma_wait3A = arith.constant 0 : i32
        %dma_wait3A_43 = tpu.memref_slice %arg3[%add3A, %mul3A_15, %dma_wait3A] : memref<32x80x128xi32, #tpu.memory_space<hbm>> -> memref<1x40x128xi32, #tpu.memory_space<hbm>>
        %dma_wait3A_44 = tpu.memref_squeeze %dma_wait3A_43 : memref<1x40x128xi32, #tpu.memory_space<hbm>> -> memref<40x128xi32, #tpu.memory_space<hbm>>
        %dma_wait3A_45 = arith.constant 0 : i32
        %dma_wait3A_46 = tpu.memref_slice %arg3[%add3A, %mul3A_15, %dma_wait3A_45] : memref<32x80x128xi32, #tpu.memory_space<hbm>> -> memref<1x40x128xi32, #tpu.memory_space<hbm>>
        %dma_wait3A_47 = tpu.memref_squeeze %dma_wait3A_46 : memref<1x40x128xi32, #tpu.memory_space<hbm>> -> memref<40x128xi32, #tpu.memory_space<hbm>>
        tpu.wait_dma2 semaphore(%run_scoped3A : memref<!tpu.dma_semaphore, #tpu.memory_space<semaphore_mem>>) src(%dma_wait3A_47 : memref<40x128xi32, #tpu.memory_space<hbm>>) dst(%arg7 : memref<40x128xi32, #tpu.memory_space<vmem>>)
        tpu.yield
      }) : () -> ()
      %mul3A_16 = arith.constant 40 : i32
      %mul3A_17 = arith.muli %scan3A_13, %mul3A_16 : i32
      "tpu.region"() ({
        %run_scoped3A = tpu.sem_alloc : memref<!tpu.dma_semaphore, #tpu.memory_space<semaphore_mem>>
        %dma_start3A_37 = arith.constant 0 : i32
        %dma_start3A_38 = tpu.memref_slice %arg4[%add3A, %mul3A_17, %dma_start3A_37] : memref<32x80x128xi32, #tpu.memory_space<hbm>> -> memref<1x40x128xi32, #tpu.memory_space<hbm>>
        %dma_start3A_39 = tpu.memref_squeeze %dma_start3A_38 : memref<1x40x128xi32, #tpu.memory_space<hbm>> -> memref<40x128xi32, #tpu.memory_space<hbm>>
        %dma_start3A_40 = arith.constant 0 : i32
        %dma_start3A_41 = tpu.memref_slice %arg4[%add3A, %mul3A_17, %dma_start3A_40] : memref<32x80x128xi32, #tpu.memory_space<hbm>> -> memref<1x40x128xi32, #tpu.memory_space<hbm>>
        %dma_start3A_42 = tpu.memref_squeeze %dma_start3A_41 : memref<1x40x128xi32, #tpu.memory_space<hbm>> -> memref<40x128xi32, #tpu.memory_space<hbm>>
        tpu.enqueue_dma source(%dma_start3A_42 : memref<40x128xi32, #tpu.memory_space<hbm>>) target(%arg8 : memref<40x128xi32, #tpu.memory_space<vmem>>) target_semaphore(%run_scoped3A : memref<!tpu.dma_semaphore, #tpu.memory_space<semaphore_mem>>)
        %dma_wait3A = arith.constant 0 : i32
        %dma_wait3A_43 = tpu.memref_slice %arg4[%add3A, %mul3A_17, %dma_wait3A] : memref<32x80x128xi32, #tpu.memory_space<hbm>> -> memref<1x40x128xi32, #tpu.memory_space<hbm>>
        %dma_wait3A_44 = tpu.memref_squeeze %dma_wait3A_43 : memref<1x40x128xi32, #tpu.memory_space<hbm>> -> memref<40x128xi32, #tpu.memory_space<hbm>>
        %dma_wait3A_45 = arith.constant 0 : i32
        %dma_wait3A_46 = tpu.memref_slice %arg4[%add3A, %mul3A_17, %dma_wait3A_45] : memref<32x80x128xi32, #tpu.memory_space<hbm>> -> memref<1x40x128xi32, #tpu.memory_space<hbm>>
        %dma_wait3A_47 = tpu.memref_squeeze %dma_wait3A_46 : memref<1x40x128xi32, #tpu.memory_space<hbm>> -> memref<40x128xi32, #tpu.memory_space<hbm>>
        tpu.wait_dma2 semaphore(%run_scoped3A : memref<!tpu.dma_semaphore, #tpu.memory_space<semaphore_mem>>) src(%dma_wait3A_47 : memref<40x128xi32, #tpu.memory_space<hbm>>) dst(%arg8 : memref<40x128xi32, #tpu.memory_space<vmem>>)
        tpu.yield
      }) : () -> ()
      %dma_start3A = arith.constant 0 : i32
      %dma_start3A_18 = arith.constant 0 : i32
      %dma_start3A_19 = tpu.memref_slice %arg7[%dma_start3A, %dma_start3A_18] : memref<40x128xi32, #tpu.memory_space<vmem>> -> memref<1x128xi32, #tpu.memory_space<vmem>>
      %dma_start3A_20 = tpu.memref_squeeze %dma_start3A_19 : memref<1x128xi32, #tpu.memory_space<vmem>> -> memref<128xi32, #tpu.memory_space<vmem>>
      %dma_start3A_21 = arith.constant 0 : i32
      %dma_start3A_22 = arith.constant 0 : i32
      %dma_start3A_23 = tpu.memref_slice %arg2[%dma_start3A_21, %dma_start3A_22] : memref<10000x128xf32, #tpu.memory_space<hbm>> -> memref<10000x128xf32, #tpu.memory_space<hbm>>
      tpu.enqueue_indirect_dma source(%dma_start3A_23 : memref<10000x128xf32, #tpu.memory_space<hbm>>) target(%arg9 : memref<128x128xf32, #tpu.memory_space<vmem>>) offsets(%dma_start3A_20 : memref<128xi32, #tpu.memory_space<vmem>>) semaphore(%arg12 : memref<!tpu.dma_semaphore, #tpu.memory_space<semaphore_mem>>)
      %dma_start3A_24 = arith.constant 1 : i32
      %dma_start3A_25 = arith.constant 0 : i32
      %dma_start3A_26 = tpu.memref_slice %arg7[%dma_start3A_24, %dma_start3A_25] : memref<40x128xi32, #tpu.memory_space<vmem>> -> memref<1x128xi32, #tpu.memory_space<vmem>>
      %dma_start3A_27 = tpu.memref_squeeze %dma_start3A_26 : memref<1x128xi32, #tpu.memory_space<vmem>> -> memref<128xi32, #tpu.memory_space<vmem>>
      %dma_start3A_28 = arith.constant 0 : i32
      %dma_start3A_29 = arith.constant 0 : i32
      %dma_start3A_30 = tpu.memref_slice %arg2[%dma_start3A_28, %dma_start3A_29] : memref<10000x128xf32, #tpu.memory_space<hbm>> -> memref<10000x128xf32, #tpu.memory_space<hbm>>
      tpu.enqueue_indirect_dma source(%dma_start3A_30 : memref<10000x128xf32, #tpu.memory_space<hbm>>) target(%arg10 : memref<128x128xf32, #tpu.memory_space<vmem>>) offsets(%dma_start3A_27 : memref<128xi32, #tpu.memory_space<vmem>>) semaphore(%arg13 : memref<!tpu.dma_semaphore, #tpu.memory_space<semaphore_mem>>)
      %scan3A_31 = arith.constant 0 : i32
      %scan3A_32 = arith.constant 0 : i32
      %scan3A_33 = arith.constant 20 : i32
      %scan3A_34 = arith.addi %scan3A_32, %scan3A_33 : i32
      %scan3A_35 = arith.constant 1 : i32
      scf.for %scan3A_37 = %scan3A_32 to %scan3A_34 step %scan3A_35  : i32 {
        %mul3A_38 = arith.constant 2 : i32
        %mul3A_39 = arith.muli %scan3A_37, %mul3A_38 : i32
        %add3A_40 = arith.constant 0 : i32
        %add3A_41 = arith.addi %mul3A_39, %add3A_40 : i32
        %dma_wait3A = arith.constant 0 : i32
        %dma_wait3A_42 = tpu.memref_slice %arg7[%add3A_41, %dma_wait3A] : memref<40x128xi32, #tpu.memory_space<vmem>> -> memref<1x128xi32, #tpu.memory_space<vmem>>
        %dma_wait3A_43 = tpu.memref_squeeze %dma_wait3A_42 : memref<1x128xi32, #tpu.memory_space<vmem>> -> memref<128xi32, #tpu.memory_space<vmem>>
        %dma_wait3A_44 = arith.constant 0 : i32
        %dma_wait3A_45 = arith.constant 0 : i32
        %dma_wait3A_46 = tpu.memref_slice %arg2[%dma_wait3A_44, %dma_wait3A_45] : memref<10000x128xf32, #tpu.memory_space<hbm>> -> memref<10000x128xf32, #tpu.memory_space<hbm>>
        tpu.wait_indirect_dma semaphore(%arg12 : memref<!tpu.dma_semaphore, #tpu.memory_space<semaphore_mem>>) src(%dma_wait3A_46 : memref<10000x128xf32, #tpu.memory_space<hbm>>) dst(%arg9 : memref<128x128xf32, #tpu.memory_space<vmem>>)
        "tpu.region"() ({
          %run_scoped3A = tpu.sem_alloc : memref<!tpu.dma_semaphore, #tpu.memory_space<semaphore_mem>>
          %dma_start3A_68 = arith.constant 0 : i32
          %dma_start3A_69 = tpu.memref_slice %arg8[%add3A_41, %dma_start3A_68] : memref<40x128xi32, #tpu.memory_space<vmem>> -> memref<1x128xi32, #tpu.memory_space<vmem>>
          %dma_start3A_70 = tpu.memref_squeeze %dma_start3A_69 : memref<1x128xi32, #tpu.memory_space<vmem>> -> memref<128xi32, #tpu.memory_space<vmem>>
          %dma_start3A_71 = arith.constant 0 : i32
          %dma_start3A_72 = arith.constant 0 : i32
          %dma_start3A_73 = tpu.memref_slice %arg11[%dma_start3A_71, %dma_start3A_72] : memref<10112x128xf32, #tpu.memory_space<vmem_shared>> -> memref<10112x128xf32, #tpu.memory_space<vmem_shared>>
          tpu.enqueue_indirect_dma source(%arg9 : memref<128x128xf32, #tpu.memory_space<vmem>>) target(%dma_start3A_73 : memref<10112x128xf32, #tpu.memory_space<vmem_shared>>) offsets(%dma_start3A_70 : memref<128xi32, #tpu.memory_space<vmem>>) semaphore(%run_scoped3A : memref<!tpu.dma_semaphore, #tpu.memory_space<semaphore_mem>>) {add = true}
          %dma_wait3A_74 = arith.constant 0 : i32
          %dma_wait3A_75 = tpu.memref_slice %arg8[%add3A_41, %dma_wait3A_74] : memref<40x128xi32, #tpu.memory_space<vmem>> -> memref<1x128xi32, #tpu.memory_space<vmem>>
          %dma_wait3A_76 = tpu.memref_squeeze %dma_wait3A_75 : memref<1x128xi32, #tpu.memory_space<vmem>> -> memref<128xi32, #tpu.memory_space<vmem>>
          %dma_wait3A_77 = arith.constant 0 : i32
          %dma_wait3A_78 = arith.constant 0 : i32
          %dma_wait3A_79 = tpu.memref_slice %arg11[%dma_wait3A_77, %dma_wait3A_78] : memref<10112x128xf32, #tpu.memory_space<vmem_shared>> -> memref<10112x128xf32, #tpu.memory_space<vmem_shared>>
          tpu.wait_indirect_dma semaphore(%run_scoped3A : memref<!tpu.dma_semaphore, #tpu.memory_space<semaphore_mem>>) src(%arg9 : memref<128x128xf32, #tpu.memory_space<vmem>>) dst(%dma_wait3A_79 : memref<10112x128xf32, #tpu.memory_space<vmem_shared>>)
          tpu.yield
        }) : () -> ()
        %add3A_47 = arith.constant 2 : i32
        %add3A_48 = arith.addi %add3A_41, %add3A_47 : i32
        %lt3A = arith.constant 40 : i32
        %lt3A_49 = arith.cmpi slt, %add3A_48, %lt3A : i32
        %convert_element_type3A = arith.extui %lt3A_49 : i1 to i32
        %cond3A = arith.constant 0 : i32
        %cond3A_50 = arith.cmpi ne, %convert_element_type3A, %cond3A : i32
        scf.if %cond3A_50 {
          %add3A_68 = arith.constant 2 : i32
          %add3A_69 = arith.addi %add3A_41, %add3A_68 : i32
          %dma_start3A_70 = arith.constant 0 : i32
          %dma_start3A_71 = tpu.memref_slice %arg7[%add3A_69, %dma_start3A_70] : memref<40x128xi32, #tpu.memory_space<vmem>> -> memref<1x128xi32, #tpu.memory_space<vmem>>
          %dma_start3A_72 = tpu.memref_squeeze %dma_start3A_71 : memref<1x128xi32, #tpu.memory_space<vmem>> -> memref<128xi32, #tpu.memory_space<vmem>>
          %dma_start3A_73 = arith.constant 0 : i32
          %dma_start3A_74 = arith.constant 0 : i32
          %dma_start3A_75 = tpu.memref_slice %arg2[%dma_start3A_73, %dma_start3A_74] : memref<10000x128xf32, #tpu.memory_space<hbm>> -> memref<10000x128xf32, #tpu.memory_space<hbm>>
          tpu.enqueue_indirect_dma source(%dma_start3A_75 : memref<10000x128xf32, #tpu.memory_space<hbm>>) target(%arg9 : memref<128x128xf32, #tpu.memory_space<vmem>>) offsets(%dma_start3A_72 : memref<128xi32, #tpu.memory_space<vmem>>) semaphore(%arg12 : memref<!tpu.dma_semaphore, #tpu.memory_space<semaphore_mem>>)
        } else {
        }
        %mul3A_51 = arith.constant 2 : i32
        %mul3A_52 = arith.muli %scan3A_37, %mul3A_51 : i32
        %add3A_53 = arith.constant 1 : i32
        %add3A_54 = arith.addi %mul3A_52, %add3A_53 : i32
        %dma_wait3A_55 = arith.constant 0 : i32
        %dma_wait3A_56 = tpu.memref_slice %arg7[%add3A_54, %dma_wait3A_55] : memref<40x128xi32, #tpu.memory_space<vmem>> -> memref<1x128xi32, #tpu.memory_space<vmem>>
        %dma_wait3A_57 = tpu.memref_squeeze %dma_wait3A_56 : memref<1x128xi32, #tpu.memory_space<vmem>> -> memref<128xi32, #tpu.memory_space<vmem>>
        %dma_wait3A_58 = arith.constant 0 : i32
        %dma_wait3A_59 = arith.constant 0 : i32
        %dma_wait3A_60 = tpu.memref_slice %arg2[%dma_wait3A_58, %dma_wait3A_59] : memref<10000x128xf32, #tpu.memory_space<hbm>> -> memref<10000x128xf32, #tpu.memory_space<hbm>>
        tpu.wait_indirect_dma semaphore(%arg13 : memref<!tpu.dma_semaphore, #tpu.memory_space<semaphore_mem>>) src(%dma_wait3A_60 : memref<10000x128xf32, #tpu.memory_space<hbm>>) dst(%arg10 : memref<128x128xf32, #tpu.memory_space<vmem>>)
        "tpu.region"() ({
          %run_scoped3A = tpu.sem_alloc : memref<!tpu.dma_semaphore, #tpu.memory_space<semaphore_mem>>
          %dma_start3A_68 = arith.constant 0 : i32
          %dma_start3A_69 = tpu.memref_slice %arg8[%add3A_54, %dma_start3A_68] : memref<40x128xi32, #tpu.memory_space<vmem>> -> memref<1x128xi32, #tpu.memory_space<vmem>>
          %dma_start3A_70 = tpu.memref_squeeze %dma_start3A_69 : memref<1x128xi32, #tpu.memory_space<vmem>> -> memref<128xi32, #tpu.memory_space<vmem>>
          %dma_start3A_71 = arith.constant 0 : i32
          %dma_start3A_72 = arith.constant 0 : i32
          %dma_start3A_73 = tpu.memref_slice %arg11[%dma_start3A_71, %dma_start3A_72] : memref<10112x128xf32, #tpu.memory_space<vmem_shared>> -> memref<10112x128xf32, #tpu.memory_space<vmem_shared>>
          tpu.enqueue_indirect_dma source(%arg10 : memref<128x128xf32, #tpu.memory_space<vmem>>) target(%dma_start3A_73 : memref<10112x128xf32, #tpu.memory_space<vmem_shared>>) offsets(%dma_start3A_70 : memref<128xi32, #tpu.memory_space<vmem>>) semaphore(%run_scoped3A : memref<!tpu.dma_semaphore, #tpu.memory_space<semaphore_mem>>) {add = true}
          %dma_wait3A_74 = arith.constant 0 : i32
          %dma_wait3A_75 = tpu.memref_slice %arg8[%add3A_54, %dma_wait3A_74] : memref<40x128xi32, #tpu.memory_space<vmem>> -> memref<1x128xi32, #tpu.memory_space<vmem>>
          %dma_wait3A_76 = tpu.memref_squeeze %dma_wait3A_75 : memref<1x128xi32, #tpu.memory_space<vmem>> -> memref<128xi32, #tpu.memory_space<vmem>>
          %dma_wait3A_77 = arith.constant 0 : i32
          %dma_wait3A_78 = arith.constant 0 : i32
          %dma_wait3A_79 = tpu.memref_slice %arg11[%dma_wait3A_77, %dma_wait3A_78] : memref<10112x128xf32, #tpu.memory_space<vmem_shared>> -> memref<10112x128xf32, #tpu.memory_space<vmem_shared>>
          tpu.wait_indirect_dma semaphore(%run_scoped3A : memref<!tpu.dma_semaphore, #tpu.memory_space<semaphore_mem>>) src(%arg10 : memref<128x128xf32, #tpu.memory_space<vmem>>) dst(%dma_wait3A_79 : memref<10112x128xf32, #tpu.memory_space<vmem_shared>>)
          tpu.yield
        }) : () -> ()
        %add3A_61 = arith.constant 2 : i32
        %add3A_62 = arith.addi %add3A_54, %add3A_61 : i32
        %lt3A_63 = arith.constant 40 : i32
        %lt3A_64 = arith.cmpi slt, %add3A_62, %lt3A_63 : i32
        %convert_element_type3A_65 = arith.extui %lt3A_64 : i1 to i32
        %cond3A_66 = arith.constant 0 : i32
        %cond3A_67 = arith.cmpi ne, %convert_element_type3A_65, %cond3A_66 : i32
        scf.if %cond3A_67 {
          %add3A_68 = arith.constant 2 : i32
          %add3A_69 = arith.addi %add3A_54, %add3A_68 : i32
          %dma_start3A_70 = arith.constant 0 : i32
          %dma_start3A_71 = tpu.memref_slice %arg7[%add3A_69, %dma_start3A_70] : memref<40x128xi32, #tpu.memory_space<vmem>> -> memref<1x128xi32, #tpu.memory_space<vmem>>
          %dma_start3A_72 = tpu.memref_squeeze %dma_start3A_71 : memref<1x128xi32, #tpu.memory_space<vmem>> -> memref<128xi32, #tpu.memory_space<vmem>>
          %dma_start3A_73 = arith.constant 0 : i32
          %dma_start3A_74 = arith.constant 0 : i32
          %dma_start3A_75 = tpu.memref_slice %arg2[%dma_start3A_73, %dma_start3A_74] : memref<10000x128xf32, #tpu.memory_space<hbm>> -> memref<10000x128xf32, #tpu.memory_space<hbm>>
          tpu.enqueue_indirect_dma source(%dma_start3A_75 : memref<10000x128xf32, #tpu.memory_space<hbm>>) target(%arg10 : memref<128x128xf32, #tpu.memory_space<vmem>>) offsets(%dma_start3A_72 : memref<128xi32, #tpu.memory_space<vmem>>) semaphore(%arg13 : memref<!tpu.dma_semaphore, #tpu.memory_space<semaphore_mem>>)
        } else {
        }
      }
      %scan3A_36 = arith.constant 20 : i32
    }
    %scan3A_7 = arith.constant 2 : i32
    %barrier3A_8 = arith.constant 0 : index
    tpu.barrier barrier_id(%barrier3A_8)
    %mul3A_9 = arith.constant 632 : i32
    %mul3A_10 = arith.muli %arg1, %mul3A_9 : i32
    %mul3A_11 = arith.constant 632 : i32
    %mul3A_12 = arith.muli %arg1, %mul3A_11 : i32
    "tpu.region"() ({
      %run_scoped3A = tpu.sem_alloc : memref<!tpu.dma_semaphore, #tpu.memory_space<semaphore_mem>>
      %dma_start3A = arith.constant 0 : i32
      %dma_start3A_13 = tpu.memref_slice %arg6[%arg0, %mul3A_12, %dma_start3A] : memref<2x10112x128xf32, #tpu.memory_space<hbm>> -> memref<1x632x128xf32, #tpu.memory_space<hbm>>
      %dma_start3A_14 = tpu.memref_squeeze %dma_start3A_13 : memref<1x632x128xf32, #tpu.memory_space<hbm>> -> memref<632x128xf32, #tpu.memory_space<hbm>>
      %dma_start3A_15 = arith.constant 0 : i32
      %dma_start3A_16 = tpu.memref_slice %arg11[%mul3A_10, %dma_start3A_15] : memref<10112x128xf32, #tpu.memory_space<vmem_shared>> -> memref<632x128xf32, #tpu.memory_space<vmem_shared>>
      tpu.enqueue_dma source(%dma_start3A_16 : memref<632x128xf32, #tpu.memory_space<vmem_shared>>) target(%dma_start3A_14 : memref<632x128xf32, #tpu.memory_space<hbm>>) target_semaphore(%run_scoped3A : memref<!tpu.dma_semaphore, #tpu.memory_space<semaphore_mem>>)
      %dma_wait3A = arith.constant 0 : i32
      %dma_wait3A_17 = tpu.memref_slice %arg6[%arg0, %mul3A_12, %dma_wait3A] : memref<2x10112x128xf32, #tpu.memory_space<hbm>> -> memref<1x632x128xf32, #tpu.memory_space<hbm>>
      %dma_wait3A_18 = tpu.memref_squeeze %dma_wait3A_17 : memref<1x632x128xf32, #tpu.memory_space<hbm>> -> memref<632x128xf32, #tpu.memory_space<hbm>>
      %dma_wait3A_19 = arith.constant 0 : i32
      %dma_wait3A_20 = tpu.memref_slice %arg11[%mul3A_10, %dma_wait3A_19] : memref<10112x128xf32, #tpu.memory_space<vmem_shared>> -> memref<632x128xf32, #tpu.memory_space<vmem_shared>>
      tpu.wait_dma2 semaphore(%run_scoped3A : memref<!tpu.dma_semaphore, #tpu.memory_space<semaphore_mem>>) src(%dma_wait3A_20 : memref<632x128xf32, #tpu.memory_space<vmem_shared>>) dst(%dma_wait3A_18 : memref<632x128xf32, #tpu.memory_space<hbm>>)
      tpu.yield
    }) : () -> ()
    return
  }
}

module attributes {stable_mosaic.version = 14 : i64} {
  func.func @_tc_body(%arg0: memref<10000x128xf32, #tpu.memory_space<vmem>>, %arg1: memref<2x10112x128xf32, #tpu.memory_space<vmem>>, %arg2: memref<128x128xf32, #tpu.memory_space<vmem>>, %arg3: memref<1x128xf32, #tpu.memory_space<vmem>>, %arg4: memref<128x128xf32, #tpu.memory_space<vmem>>, %arg5: memref<1x128xf32, #tpu.memory_space<vmem>>, %arg6: memref<1x128xf32, #tpu.memory_space<vmem>>, %arg7: memref<1x128xf32, #tpu.memory_space<vmem>>, %arg8: memref<10000x128xf32, #tpu.memory_space<vmem>>) attributes {dimension_semantics = [], scalar_prefetch = 0 : i64, scratch_operands = 0 : i64, tpu.core_type = #tpu.core_type<tc>} {
    %get3A = arith.constant 0 : index
    %get3A_0 = arith.constant 0 : index
    %get3A_1 = vector.load %arg0[%get3A, %get3A_0] : memref<10000x128xf32, #tpu.memory_space<vmem>>, vector<10000x128xf32>
    %get3A_2 = arith.constant 0 : index
    %get3A_3 = arith.constant 0 : index
    %get3A_4 = arith.constant 0 : index
    %get3A_5 = vector.load %arg1[%get3A_2, %get3A_3, %get3A_4] : memref<2x10112x128xf32, #tpu.memory_space<vmem>>, vector<1x10000x128xf32>
    %get3A_6 = vector.shape_cast %get3A_5 : vector<1x10000x128xf32> to vector<10000x128xf32>
    %add3A = arith.addf %get3A_1, %get3A_6 : vector<10000x128xf32>
    %get3A_7 = arith.constant 1 : index
    %get3A_8 = arith.constant 0 : index
    %get3A_9 = arith.constant 0 : index
    %get3A_10 = vector.load %arg1[%get3A_7, %get3A_8, %get3A_9] : memref<2x10112x128xf32, #tpu.memory_space<vmem>>, vector<1x10000x128xf32>
    %get3A_11 = vector.shape_cast %get3A_10 : vector<1x10000x128xf32> to vector<10000x128xf32>
    %add3A_12 = arith.addf %add3A, %get3A_11 : vector<10000x128xf32>
    %get3A_13 = arith.constant 0 : index
    %get3A_14 = arith.constant 0 : index
    %get3A_15 = vector.load %arg2[%get3A_13, %get3A_14] : memref<128x128xf32, #tpu.memory_space<vmem>>, vector<128x128xf32>
    %dot_general3A = arith.constant dense<0.000000e+00> : vector<10000x128xf32>
    %dot_general3A_16 = tpu.matmul %add3A_12, %get3A_15, %dot_general3A {dimension_numbers = #tpu.dot_dimension_numbers<[1], [0], [0], [1], [0, 0, 1, 1], [], []>, transpose_lhs_hint = false} : vector<10000x128xf32>, vector<128x128xf32>, vector<10000x128xf32> -> vector<10000x128xf32>
    %get3A_17 = arith.constant 0 : index
    %get3A_18 = arith.constant 0 : index
    %get3A_19 = vector.load %arg3[%get3A_17, %get3A_18] : memref<1x128xf32, #tpu.memory_space<vmem>>, vector<1x128xf32>
    %add3A_20 = vector.broadcast %get3A_19 : vector<1x128xf32> to vector<10000x128xf32>
    %add3A_21 = arith.addf %dot_general3A_16, %add3A_20 : vector<10000x128xf32>
    %max3A = arith.constant 0.000000e+00 : f32
    %max3A_22 = vector.broadcast %max3A : f32 to vector<10000x128xf32>
    %max3A_23 = arith.maximumf %add3A_21, %max3A_22 : vector<10000x128xf32>
    %get3A_24 = arith.constant 0 : index
    %get3A_25 = arith.constant 0 : index
    %get3A_26 = vector.load %arg4[%get3A_24, %get3A_25] : memref<128x128xf32, #tpu.memory_space<vmem>>, vector<128x128xf32>
    %dot_general3A_27 = arith.constant dense<0.000000e+00> : vector<10000x128xf32>
    %dot_general3A_28 = tpu.matmul %max3A_23, %get3A_26, %dot_general3A_27 {dimension_numbers = #tpu.dot_dimension_numbers<[1], [0], [0], [1], [0, 0, 1, 1], [], []>, transpose_lhs_hint = false} : vector<10000x128xf32>, vector<128x128xf32>, vector<10000x128xf32> -> vector<10000x128xf32>
    %get3A_29 = arith.constant 0 : index
    %get3A_30 = arith.constant 0 : index
    %get3A_31 = vector.load %arg5[%get3A_29, %get3A_30] : memref<1x128xf32, #tpu.memory_space<vmem>>, vector<1x128xf32>
    %add3A_32 = vector.broadcast %get3A_31 : vector<1x128xf32> to vector<10000x128xf32>
    %add3A_33 = arith.addf %dot_general3A_28, %add3A_32 : vector<10000x128xf32>
    %reduce_sum3A = arith.constant dense<0.000000e+00> : vector<128xf32>
    %reduce_sum3A_34 = vector.multi_reduction <add>, %add3A_33, %reduce_sum3A [0] : vector<10000x128xf32> to vector<128xf32>
    %broadcast_in_dim3A = vector.shape_cast %reduce_sum3A_34 : vector<128xf32> to vector<1x128xf32>
    %div3A = arith.constant 1.000000e+04 : f32
    %div3A_35 = vector.broadcast %div3A : f32 to vector<1x128xf32>
    %div3A_36 = arith.divf %broadcast_in_dim3A, %div3A_35 : vector<1x128xf32>
    %sub3A = vector.broadcast %div3A_36 : vector<1x128xf32> to vector<10000x128xf32>
    %sub3A_37 = arith.subf %add3A_33, %sub3A : vector<10000x128xf32>
    %sub3A_38 = vector.broadcast %div3A_36 : vector<1x128xf32> to vector<10000x128xf32>
    %sub3A_39 = arith.subf %add3A_33, %sub3A_38 : vector<10000x128xf32>
    %mul3A = arith.mulf %sub3A_37, %sub3A_39 : vector<10000x128xf32>
    %reduce_sum3A_40 = arith.constant dense<0.000000e+00> : vector<128xf32>
    %reduce_sum3A_41 = vector.multi_reduction <add>, %mul3A, %reduce_sum3A_40 [0] : vector<10000x128xf32> to vector<128xf32>
    %broadcast_in_dim3A_42 = vector.shape_cast %reduce_sum3A_41 : vector<128xf32> to vector<1x128xf32>
    %div3A_43 = arith.constant 1.000000e+04 : f32
    %div3A_44 = vector.broadcast %div3A_43 : f32 to vector<1x128xf32>
    %div3A_45 = arith.divf %broadcast_in_dim3A_42, %div3A_44 : vector<1x128xf32>
    %sub3A_46 = vector.broadcast %div3A_36 : vector<1x128xf32> to vector<10000x128xf32>
    %sub3A_47 = arith.subf %add3A_33, %sub3A_46 : vector<10000x128xf32>
    %add3A_48 = arith.constant 9.99999974E-6 : f32
    %add3A_49 = vector.broadcast %add3A_48 : f32 to vector<1x128xf32>
    %add3A_50 = arith.addf %div3A_45, %add3A_49 : vector<1x128xf32>
    %rsqrt3A = math.rsqrt %add3A_50 : vector<1x128xf32>
    %mul3A_51 = vector.broadcast %rsqrt3A : vector<1x128xf32> to vector<10000x128xf32>
    %mul3A_52 = arith.mulf %sub3A_47, %mul3A_51 : vector<10000x128xf32>
    %get3A_53 = arith.constant 0 : index
    %get3A_54 = arith.constant 0 : index
    %get3A_55 = vector.load %arg6[%get3A_53, %get3A_54] : memref<1x128xf32, #tpu.memory_space<vmem>>, vector<1x128xf32>
    %mul3A_56 = vector.broadcast %get3A_55 : vector<1x128xf32> to vector<10000x128xf32>
    %mul3A_57 = arith.mulf %mul3A_52, %mul3A_56 : vector<10000x128xf32>
    %get3A_58 = arith.constant 0 : index
    %get3A_59 = arith.constant 0 : index
    %get3A_60 = vector.load %arg7[%get3A_58, %get3A_59] : memref<1x128xf32, #tpu.memory_space<vmem>>, vector<1x128xf32>
    %add3A_61 = vector.broadcast %get3A_60 : vector<1x128xf32> to vector<10000x128xf32>
    %add3A_62 = arith.addf %mul3A_57, %add3A_61 : vector<10000x128xf32>
    %swap3A = arith.constant 0 : index
    %swap3A_63 = arith.constant 0 : index
    %swap3A_64 = vector.load %arg8[%swap3A, %swap3A_63] : memref<10000x128xf32, #tpu.memory_space<vmem>>, vector<10000x128xf32>
    tpu.vector_store %arg8[%swap3A, %swap3A_63], %add3A_62 {strides = array<i32>} : memref<10000x128xf32, #tpu.memory_space<vmem>>, vector<10000x128xf32>,
    return
  }
}

</mosaic_0001>

<sc_bundles>
// kernel: kernel.4.cloned.1.call-start
scs
__scs_entry_jumppad:
0x0: {  	(pc) =	sbr.rel $0x88, $3  }
0x1: {  	(tag) =	ssettag $0x0;
	lr =	simm.s32 $0x1  }
0x2: {  	[smem:$0x3F99] =	sst lr;
	_ =	strace $0xD0000000  }
0x3: {  	_ = 	snop  }
0x4: {  	_ = 	snop  }
0x5: {  	_ = 	snop  }
0x6: {  	_ = 	snop  }
0x7: {  	_ = 	snop  }
__scs_overlays_trampoline_lowered:
0x8: {  	[smem:$0x3FA8] =	sst s0  }
0x9: {  	[smem:$0x3FA9] =	sst s1  }
0xa: {  	[smem:$0x3FAA] =	sst s2  }
0xb: {  	[smem:$0x3FAB] =	sst s3  }
0xc: {  	[smem:$0x3FAC] =	sst s4  }
0xd: {  	[smem:$0x3FAD] =	sst s5  }
0xe: {  	[smem:$0x3FAE] =	sst s6  }
0xf: {  	[smem:$0x3FAF] =	sst s7  }
0x10: {  	[smem:$0x3FB0] =	sst s8  }
0x11: {  	[smem:$0x3FB1] =	sst s9;
	s0 =	simm.s32 @!p0 $0x0  }
0x12: {  	s1 =	sld [smem:$0x3F97];
	s0 =	simm.s32 @p0 $0x1  }
0x13: {  	[smem:$0x3FB2] =	sst s0;
	s0 =	simm.s32 @!p1 $0x0  }
0x14: {  	s2 =	sld [smem:$0x3F96];
	s0 =	simm.s32 @p1 $0x1  }
0x15: {  	[smem:$0x3FB3] =	sst s0;
	s0 =	simm.s32 @!p2 $0x0  }
0x16: {  	s3 =	sld [smem:$0x3FDB];
	s0 =	simm.s32 @p2 $0x1  }
0x17: {  	s4 =	simm.s32 $0x1BF5;
	[smem:$0x3FB5] =	sst s0  }
0x18: {  	s0 =	sld [smem:$0x3F98];
	_ =	swait.ge [sflag:s4], $0x0  }
0x19: {  	s7 =	sld [smem:$0x3F99]  }
0x1a: {  	s8 =	sadd.s32 $0xFFFFE003, lr  }
0x1b: {  	s9 =	sadd.s32 $0xFFFFFEF7, lr;
	s5 =	simm.s32 $0xFFFFFFFF;
	p2 =	slt.u32 s8, $0xFFFFF086  }
0x1c: {  	p1 =	slt.u32 s9, $0xF7A;
	s5 =	simm.s32 @!p2 $0x0  }
0x1d: {  	s5 =	simm.s32 @p1 $0x1;
	p0 =	seq.s32 s7, s2  }
0x1e: {  	s7 =	smul.u32 @!p0 $0xF7A, s2;
	p2 =	seq.s32 @!p0 s5, $0x0  }
0x1f: {  	s9 =	smul.u32 $0xF7A, s1;
	s8 =	simm.s32 @!p0 $0x1BF5;
	p2 =	por !p2, p0  }
0x20: {  	[sflag:s8] =	ssyncset.s32 @!p0 $0xFFFFF086;
	s6 =	sadd.s32 @!p0 s3, s7;
	s7 =	simm.s32 @!p0 $0x108  }
0x21: {  	s3 =	sadd.s32 s3, s9;
	s6 =	sadd.s32 @!p0 $0x88, s6;
	s7 =	simm.s32 @p2 $0x1082  }
0x22: {  	[simem:s7], [sflag:s8] =	dma.local @!p0 [hbm:s6], $0xF7A  }
0x23: {  	s9 =	sor.u32 $0xD0000000, s2;
	s6 =	simm.s32 $0x108;
	_ =	swait.ge @!p0 [sflag:s8], $0x0  }
0x24: {  	s3 =	sadd.s32 $0x88, s3;
	s6 =	simm.s32 @!p1 $0x1082;
	[sflag:s4] =	ssyncset.s32 $0xFFFFF086  }
0x25: {  	[simem:s6], [sflag:s4] =	dma.local [hbm:s3], $0xF7A  }
0x26: {  	[smem:$0x3F99] =	sst s1;
	(tag) =	ssettag s2;
	_ =	strace s9  }
0x27: {  	s1 =	sld [smem:$0x3FA9]  }
0x28: {  	s2 =	sld [smem:$0x3FAA]  }
0x29: {  	s4 =	sld [smem:$0x3FAC]  }
0x2a: {  	p0 =	seq.s32 s5, $0x0;
	s5 =	sld [smem:$0x3FAD]  }
0x2b: {  	s6 =	sld [smem:$0x3FAE]  }
0x2c: {  	s7 =	sld [smem:$0x3FAF]  }
0x2d: {  	s3 =	simm.s32 $0x108;
	s8 =	sld [smem:$0x3FB0]  }
0x2e: {  	s3 =	simm.s32 @!p0 $0x1082;
	s9 =	sld [smem:$0x3FB1]  }
0x2f: {  	lr =	sadd.s32 s0, s3;
	s0 =	sld [smem:$0x3FA8]  }
0x30: {  	s3 =	sld [smem:$0x3FAB]  }
0x31: {  	[smem:$0x3FB4] =	sst s10  }
0x32: {  	s10 =	sld [smem:$0x3FB2];
	_ =	sdelay $0x3  }
0x33: {  	p0 =	seq.s32 s10, $0x1;
	s10 =	sld [smem:$0x3FB4];
	_ =	sdelay $0x3  }
0x34: {  	[smem:$0x3FB4] =	sst s10  }
0x35: {  	s10 =	sld [smem:$0x3FB3];
	_ =	sdelay $0x3  }
0x36: {  	p1 =	seq.s32 s10, $0x1;
	s10 =	sld [smem:$0x3FB4];
	_ =	sdelay $0x3  }
0x37: {  	[smem:$0x3FB4] =	sst s10  }
0x38: {  	s10 =	sld [smem:$0x3FB5]  }
0x39: {  	_ = 	snop;
	(pc) =	sbr.ind lr, $3  }
0x3a: {  	_ = 	snop  }
0x3b: {  	_ = 	snop  }
0x3c: {  	p2 =	seq.s32 s10, $0x1;
	s10 =	sld [smem:$0x3FB4]  }
0x3d: {  	_ =	shalt  }
0x3e: {  	_ =	shalt  }
0x3f: {  	_ =	shalt  }
0x40: {  	_ =	shalt  }
0x41: {  	_ =	shalt  }
0x42: {  	_ =	shalt  }
0x43: {  	_ =	shalt  }
0x44: {  	_ =	shalt  }
0x45: {  	_ =	shalt  }
0x46: {  	_ =	shalt  }
0x47: {  	_ =	shalt  }
0x48: {  	_ =	shalt  }
0x49: {  	_ =	shalt  }
0x4a: {  	_ =	shalt  }
0x4b: {  	_ =	shalt  }
0x4c: {  	_ =	shalt  }
0x4d: {  	_ =	shalt  }
0x4e: {  	_ =	shalt  }
0x4f: {  	_ =	shalt  }
0x50: {  	_ =	shalt  }
0x51: {  	_ =	shalt  }
0x52: {  	_ =	shalt  }
0x53: {  	_ =	shalt  }
0x54: {  	_ =	shalt  }
0x55: {  	_ =	shalt  }
0x56: {  	_ =	shalt  }
0x57: {  	_ =	shalt  }
0x58: {  	_ =	shalt  }
0x59: {  	_ =	shalt  }
0x5a: {  	_ =	shalt  }
0x5b: {  	_ =	shalt  }
0x5c: {  	_ =	shalt  }
0x5d: {  	_ =	shalt  }
0x5e: {  	_ =	shalt  }
0x5f: {  	_ =	shalt  }
0x60: {  	_ =	shalt  }
0x61: {  	_ =	shalt  }
0x62: {  	_ =	shalt  }
0x63: {  	_ =	shalt  }
0x64: {  	_ =	shalt  }
0x65: {  	_ =	shalt  }
0x66: {  	_ =	shalt  }
0x67: {  	_ =	shalt  }
0x68: {  	_ =	shalt  }
0x69: {  	_ =	shalt  }
0x6a: {  	_ =	shalt  }
0x6b: {  	_ =	shalt  }
0x6c: {  	_ =	shalt  }
0x6d: {  	_ =	shalt  }
0x6e: {  	_ =	shalt  }
0x6f: {  	_ =	shalt  }
0x70: {  	_ =	shalt  }
0x71: {  	_ =	shalt  }
0x72: {  	_ =	shalt  }
0x73: {  	_ =	shalt  }
0x74: {  	_ =	shalt  }
0x75: {  	_ =	shalt  }
0x76: {  	_ =	shalt  }
0x77: {  	_ =	shalt  }
0x78: {  	_ =	shalt  }
0x79: {  	_ =	shalt  }
0x7a: {  	_ =	shalt  }
0x7b: {  	_ =	shalt  }
0x7c: {  	_ =	shalt  }
0x7d: {  	_ =	shalt  }
0x7e: {  	_ =	shalt  }
0x7f: {  	_ =	shalt  }
0x80: {  	_ =	shalt  }
0x81: {  	_ =	shalt  }
0x82: {  	_ =	shalt  }
0x83: {  	_ =	shalt  }
0x84: {  	_ =	shalt  }
0x85: {  	_ =	shalt  }
0x86: {  	_ =	shalt  }
0x87: {  	_ =	shalt  }
.Lfunc_end0:
.L_simem_size_0:
called_computation_lowered:
.L_overlay_start_0:
0x88: {  	s2 =	sld [smem:$0x3FD9]  }
0x89: {  	s3 =	sld [smem:$0x3FFE];
	_ =	sdelay $0x1  }
0x8a: {  	s1 =	srdreg.scid  }
0x8b: {  	s0 =	sand.u32 $0x1, s1  }
0x8c: {  	s17 =	sshll.u32 s0, $0xA;
	s2 =	sadd.s32 s3, s2  }
0x8d: {  	s2 =	sadd.s32 s2, s17  }
0x8e: {  	[smem:$0x3FC0] =	sst s2  }
0x8f: {  	_ = 	snop  }
0x90: {  	s2 =	sld [smem:$0x3FC9]  }
0x91: {  	s18 =	sld [smem:$0x3FD0];
	(tm) =	ssettm $0x1  }
0x92: {  	s4 =	sld [smem:$0x3FFB];
	_ =	sdelay $0x3  }
0x93: {  	_ =	strace s4  }
0x94: {  	s4 =	sld [smem:$0x3FFC];
	_ =	sdelay $0x3  }
0x95: {  	_ =	strace s4  }
0x96: {  	s4 =	sld [smem:$0x3FFD];
	_ =	sdelay $0x3  }
0x97: {  	_ =	strace s4  }
0x98: {  	_ =	strace $0x8FFFFFFF  }
0x99: {  	s19 =	sld [smem:$0x3FDB];
	_ =	sdelay $0x1  }
0x9a: {  	s5 =	simm.s32 $_scs_section_size  }
0x9b: {  	s6 =	simm.s32 $_size__tile_overlayer_lowered;
	s7 =	simm.s32 $_tile_overlayer_lowered  }
0x9c: {  	s22 =	simm.s32 $0x1BFF;
	s21 =	sshll.u32 s7, $0x1;
	s4 =	sadd.s32 s5, s19  }
0x9d: {  	s8 =	simm.s32 $0x0;
	s20 =	sshll.u32 s6, $0x1;
	s6 =	sadd.s32 s21, s4  }
0x9e: {  	[timem:s8], [sflag:s22] =	dma.local [hbm:s6], s20  }
0x9f: {  	_ =	swait.ge [sflag:s22], s20  }
0xa0: {  	s5 =	ssub.s32 $0x0, s20;
	[sflag:s22] =	ssyncset.done $0x0  }
0xa1: {  	[sflag:s22] =	ssyncadd.s32 s5;
	_ =	sdelay $0x1  }
0xa2: {  	s23 =	simm.s32 $0x1B8B  }
0xa3: {  	_ =	swait.ge [sflag:s23], $0x1  }
0xa4: {  	[sflag:s23] =	ssyncset.done $0x0  }
0xa5: {  	s25 =	simm.s32 $0x1B8E;
	s24 =	sld [smem:$0x3FFE];
	[sflag:s23] =	ssyncadd.s32 $0xFFFFFFFF  }
0xa6: {  	s26 =	simm.s32 $execute0_lowered;
	[smem:$0x3FD2] =	sst s25  }
0xa7: {  	s6 =	sshll.u32 s26, $0x1;
	_ =	strace $0x80000046;
	[dreg:$0x1] =	wrdreg $0xFFFFFFFF  }
0xa8: {  	s28 =	simm.s32 $_size_execute0_lowered;
	s4 =	sadd.s32 s4, s6;
	[dreg:$0x0] =	wrdreg $0x0  }
0xa9: {  	s6 =	sshll.u32 s28, $0x1;
	[dreg:$0x2] =	wrdreg s4  }
0xaa: {  	[dreg:$0x3] =	wrdreg s6  }
0xab: {  	[dreg:$0x4] =	wrdreg $0xC0  }
0xac: {  	_ =	task [dreg:s8], $0x5FFFF  }
0xad: {  	[dreg:$0x1] =	wrdreg $0xFFFFFFFF  }
0xae: {  	[dreg:$0x0] =	wrdreg $0x60  }
0xaf: {  	[dreg:$0x2] =	wrdreg s2  }
0xb0: {  	[dreg:$0x3] =	wrdreg s18  }
0xb1: {  	[dreg:$0x4] =	wrdreg s24  }
0xb2: {  	[dreg:$0x5] =	wrdreg $0xA8000  }
0xb3: {  	[dreg:$0x6] =	wrdreg $0x9  }
0xb4: {  	_ =	task.clear_ibuf [dreg:s8], $0x7FFFF;
	_ =	strace $0x90000046  }
0xb5: {  	s29 =	simm.s32 $0x9;
	_ =	strace $0x80000048  }
0xb6: {  	_ =	swait.ge [sflag:s29], $0x1  }
0xb7: {  	[sflag:s29] =	ssyncadd.s32 $0xFFFFFFFF  }
0xb8: {  	_ =	strace $0x90000048  }
0xb9: {  	_ =	sfence  }
0xba: {  	s30 =	sld [smem:$0x0];
	_ =	sdelay $0x2  }
0xbb: {  	s31 =	sshll.u32 s1, $0xD;
	s1 =	sshrl.u32 s1, $0x2  }
0xbc: {  	s3 =	sand.u32 $0x4000, s31;
	s1 =	sadd.s32 s1, s30  }
0xbd: {  	s0 =	sor.u32 s3, s0;
	s1 =	sshll.u32 s1, $0x11  }
0xbe: {  	s0 =	sor.u32 s1, s0  }
0xbf: {  	s0 =	sadd.s32 $0x8F2B, s0  }
0xc0: {  	[sflag:s0] =	ssyncadd.remote.s32 $0x1  }
0xc1: {  	_ =	sfence.sel $0xFFFF  }
0xc2: {  	[dreg:$0x0] =	wrdreg $0xFFFFFFFF;
	(pc) =	sbr.abs _section_cstart, $3  }
0xc3: {  	[dreg:$0x1] =	wrdreg $0xFFFFFFFF  }
0xc4: {  	_ =	task.clear_ibuf [dreg:s8], $0x2FFFF;
	_ =	strace $0x9FFFFFFF  }
0xc5: {  	(tm) =	ssettm $0x7FFFFFFF  }
tec
execute0_lowered:
.L_overlay_start_1:
0x0: {  	(tag) =	ssettag $0x1  }
0x1: {  	s0 =	rddreg [dreg:$0x0]  }
0x2: {  	s11 =	rddreg [dreg:$0x1]  }
0x3: {  	s6 =	rddreg [dreg:$0x2];
	s1 =	srdreg.scid  }
0x4: {  	s3 =	rddreg [dreg:$0x3];
	s2 =	stileid.u32  }
0x5: {  	s4 =	simm.s32 $0x0;
	s15 =	simm.s32 $0x1400;
	s16 =	simm.s32 $0x80  }
0x6: {  	s17 =	simm.s32 $0x2800;
	s18 =	simm.s32 $0x6800;
	s19 =	simm.s32 $0x1  }
0x7: {  	s20 =	simm.s32 $0x2;
	s21 =	simm.s32 $0x2700;
	s22 =	simm.s32 $0x2780  }
0x8: {  	s7 =	sand.u32 $0x1, s1;
	s1 =	rddreg [dreg:$0x4];
	s8 =	smul.u32 $0x13C00, s2  }
0x9: {  	s23 =	simm.s32 $0x0;
	[smem:$0x7FF] =	sst s4;
	s10 =	smul.u32 $0x4F000, s2  }
0xa: {  	s12 =	sadd.s32 $0x1200, s6;
	s29 =	sshll.u32 s2, $0x6;
	s5 =	smul.u32 $0x13C000, s7  }
0xb: {  	_ =	strace $0x80000047;
	s9 =	sshll.u32 s7, $0x4;
	s7 =	ssub.s32 $0x2, s7  }
0xc: {  	s9 =	sor.u32 s2, s9;
	s26 =	sshrl.u32 s7, $0x1;
	s28 =	sshrl.u32 s10, $0x2  }
0xd: {  	s8 =	sadd.s32 s8, s5;
	s5 =	sadd.s32 $0xB200, s6;
	s9 =	smul.u32 $0x2800, s9  }
0xe: {  	s13 =	ssub.s32 s7, s26;
	s14 =	sadd.s32 s28, s3;
	s8 =	sshrl.u32 s8, $0x3  }
0xf: {  	s8 =	sadd.s32 s8, s6;
	s6 =	sor.u32 $0x1C03, s29;
	s30 =	sshrl.u32 s9, $0x3  }
0x10: {  	s7 =	sadd.s32 $0xDA00, s8;
	s8 =	smax.u32 s13, $0x1;
	s31 =	sadd.s32 $0x280, s30  }
0x11: {  	s9 =	sadd.s32 s11, s30;
	s10 =	sadd.s32 s12, s30;
	s13 =	sshrl.u32 s14, $0x3  }
0x12: {  	s14 =	simm.s32 $0x3;
	s11 =	sadd.s32 s11, s31;
	s12 =	sadd.s32 s12, s31  }
.LBB2_1:
0x13: {  	[spmem:s13], [sflag:s6] =	dma.local [hbm:s5], $0x2780  }
0x14: {  	_ =	swait.ge [sflag:s14], $0x2780  }
0x15: {  	[sflag:s14] =	ssyncset.done $0x0  }
0x16: {  	[sflag:s14] =	ssyncadd.s32 $0xFFFFD880  }
0x17: {  	[bflag:$0x0] =	sbarrier.arrive $0xFFFF  }
0x18: {  	[tilespmem:s4], [sflag:$0x3] =	stream.linear.gather [hbm4b:s9+s4], $0x1400, $0x38;
	[tilespmem:$0x1E400] =	vst v63  }
0x19: {  	_ =	swait.ge [sflag:s14], $0x1400  }
0x1a: {  	[sflag:s14] =	ssyncset.done $0x0  }
0x1b: {  	[sflag:s14] =	ssyncadd.s32 $0xFFFFEC00  }
0x1c: {  	[tilespmem:s15], [sflag:$0x3] =	stream.linear.gather [hbm4b:s10+s4], $0x1400, $0x38;
	[tilespmem:$0x1E400] =	vst v63  }
0x1d: {  	_ =	swait.ge [sflag:s14], $0x1400  }
0x1e: {  	[sflag:s14] =	ssyncset.done $0x0  }
0x1f: {  	[sflag:s14] =	ssyncadd.s32 $0xFFFFEC00  }
0x20: {  	[tilespmem:s17], [sflag:$0x1] =	stream.indirect.gather [hbm4b:s0+s16], $0x80, s4, s16, $0xb8;
	[tilespmem:$0x1E400] =	vst v63  }
0x21: {  	_ = 	snop  }
0x22: {  	[tilespmem:s18], [sflag:$0x2] =	stream.indirect.gather [hbm4b:s0+s16], $0x80, s16, s16, $0xb8;
	[tilespmem:$0x1E400] =	vst v63  }
0x23: {  	_ =	swait.ge [sflag:s19], $0x4000  }
0x24: {  	[sflag:s19] =	ssyncset.done $0x0  }
0x25: {  	s24 =	simm.s32 $0x1400;
	[sflag:s19] =	ssyncadd.s32 $0xFFFFC000  }
0x26: {  	[spmem:s3] =	stream.indirect.scatter.add.f32 [tilespmem:s17], [sflag:$0x3], $0x80, s24, s16, $0xb8;
	[tilespmem:$0x1E400] =	vst v63  }
0x27: {  	_ =	swait.ge [sflag:s14], $0x4000  }
0x28: {  	[sflag:s14] =	ssyncset.done $0x0  }
0x29: {  	s30 =	simm.s32 $0x100;
	[sflag:s14] =	ssyncadd.s32 $0xFFFFC000  }
0x2a: {  	[tilespmem:s17], [sflag:$0x1] =	stream.indirect.gather [hbm4b:s0+s16], $0x80, s30, s16, $0xb8;
	[tilespmem:$0x1E400] =	vst v63  }
0x2b: {  	_ =	swait.ge [sflag:s20], $0x4000  }
0x2c: {  	[sflag:s20] =	ssyncset.done $0x0  }
0x2d: {  	s31 =	simm.s32 $0x1480;
	[sflag:s20] =	ssyncadd.s32 $0xFFFFC000  }
0x2e: {  	[spmem:s3] =	stream.indirect.scatter.add.f32 [tilespmem:s18], [sflag:$0x3], $0x80, s31, s16, $0xb8;
	[tilespmem:$0x1E400] =	vst v63  }
0x2f: {  	_ =	swait.ge [sflag:s14], $0x4000  }
0x30: {  	[sflag:s14] =	ssyncset.done $0x0  }
0x31: {  	s25 =	simm.s32 $0x180;
	s24 =	simm.s32 $0x400;
	[sflag:s14] =	ssyncadd.s32 $0xFFFFC000  }
.LBB2_2:
0x32: {  	[tilespmem:s18], [sflag:$0x2] =	stream.indirect.gather [hbm4b:s0+s16], $0x80, s25, s16, $0xb8;
	[tilespmem:$0x1E400] =	vst v63  }
0x33: {  	s25 =	smov.u32 s24  }
0x34: {  	p0 =	sne.s32 s24, $0x4800;
	s24 =	sadd.s32 $0x400, s24;
	_ =	swait.ge [sflag:s19], $0x4000  }
0x35: {  	s25 =	sshra.s32 s25, $0x2;
	[sflag:s19] =	ssyncset.done $0x0  }
0x36: {  	s26 =	sadd.s32 $0x1400, s25;
	[sflag:s19] =	ssyncadd.s32 $0xFFFFC000  }
0x37: {  	[spmem:s3] =	stream.indirect.scatter.add.f32 [tilespmem:s17], [sflag:$0x3], $0x80, s26, s16, $0xb8;
	[tilespmem:$0x1E400] =	vst v63  }
0x38: {  	_ =	swait.ge [sflag:s14], $0x4000  }
0x39: {  	[sflag:s14] =	ssyncset.done $0x0  }
0x3a: {  	s26 =	sadd.s32 $0x100, s25;
	[sflag:s14] =	ssyncadd.s32 $0xFFFFC000  }
0x3b: {  	[tilespmem:s17], [sflag:$0x1] =	stream.indirect.gather [hbm4b:s0+s16], $0x80, s26, s16, $0xb8;
	[tilespmem:$0x1E400] =	vst v63  }
0x3c: {  	_ =	swait.ge [sflag:s20], $0x4000  }
0x3d: {  	[sflag:s20] =	ssyncset.done $0x0  }
.Ltmp0:
0x3e: {  	s26 =	sadd.s32 $0x1480, s25;
	[sflag:s20] =	ssyncadd.s32 $0xFFFFC000;
	(pc) =	sbr.rel @p0 .LBB2_2-.Ltmp0, $4  }
0x3f: {  	[spmem:s3] =	stream.indirect.scatter.add.f32 [tilespmem:s18], [sflag:$0x3], $0x80, s26, s16, $0xb8;
	[tilespmem:$0x1E400] =	vst v63  }
0x40: {  	_ =	swait.ge [sflag:s14], $0x4000  }
0x41: {  	[sflag:s14] =	ssyncset.done $0x0  }
0x42: {  	s25 =	sadd.s32 $0x180, s25;
	[sflag:s14] =	ssyncadd.s32 $0xFFFFC000  }
0x43: {  	[tilespmem:s18], [sflag:$0x2] =	stream.indirect.gather [hbm4b:s0+s16], $0x80, s25, s16, $0xb8;
	[tilespmem:$0x1E400] =	vst v63  }
0x44: {  	_ =	swait.ge [sflag:s19], $0x4000  }
0x45: {  	[sflag:s19] =	ssyncset.done $0x0  }
0x46: {  	[sflag:s19] =	ssyncadd.s32 $0xFFFFC000  }
0x47: {  	[spmem:s3] =	stream.indirect.scatter.add.f32 [tilespmem:s17], [sflag:$0x3], $0x80, s21, s16, $0xb8;
	[tilespmem:$0x1E400] =	vst v63  }
0x48: {  	_ =	swait.ge [sflag:s14], $0x4000  }
0x49: {  	[sflag:s14] =	ssyncset.done $0x0  }
0x4a: {  	[sflag:s14] =	ssyncadd.s32 $0xFFFFC000  }
0x4b: {  	_ =	swait.ge [sflag:s20], $0x4000  }
0x4c: {  	[sflag:s20] =	ssyncset.done $0x0  }
0x4d: {  	[sflag:s20] =	ssyncadd.s32 $0xFFFFC000  }
0x4e: {  	[spmem:s3] =	stream.indirect.scatter.add.f32 [tilespmem:s18], [sflag:$0x3], $0x80, s22, s16, $0xb8;
	[tilespmem:$0x1E400] =	vst v63  }
0x4f: {  	_ =	swait.ge [sflag:s14], $0x4000  }
0x50: {  	[sflag:s14] =	ssyncset.done $0x0  }
0x51: {  	s24 =	simm.s32 $0x0;
	[sflag:s14] =	ssyncadd.s32 $0xFFFFC000  }
0x52: {  	[tilespmem:s24], [sflag:$0x3] =	stream.linear.gather [hbm4b:s11+s24], $0x1400, $0x38;
	[tilespmem:$0x1E400] =	vst v63  }
0x53: {  	_ =	swait.ge [sflag:s14], $0x1400  }
0x54: {  	[sflag:s14] =	ssyncset.done $0x0  }
0x55: {  	[sflag:s14] =	ssyncadd.s32 $0xFFFFEC00  }
0x56: {  	[tilespmem:s15], [sflag:$0x3] =	stream.linear.gather [hbm4b:s12+s24], $0x1400, $0x38;
	[tilespmem:$0x1E400] =	vst v63  }
0x57: {  	_ =	swait.ge [sflag:s14], $0x1400  }
0x58: {  	[sflag:s14] =	ssyncset.done $0x0  }
0x59: {  	[sflag:s14] =	ssyncadd.s32 $0xFFFFEC00  }
0x5a: {  	[tilespmem:s17], [sflag:$0x1] =	stream.indirect.gather [hbm4b:s0+s16], $0x80, s24, s16, $0xb8;
	[tilespmem:$0x1E400] =	vst v63  }
0x5b: {  	_ = 	snop  }
0x5c: {  	[tilespmem:s18], [sflag:$0x2] =	stream.indirect.gather [hbm4b:s0+s16], $0x80, s16, s16, $0xb8;
	[tilespmem:$0x1E400] =	vst v63  }
0x5d: {  	_ =	swait.ge [sflag:s19], $0x4000  }
0x5e: {  	[sflag:s19] =	ssyncset.done $0x0  }
0x5f: {  	s29 =	simm.s32 $0x1400;
	[sflag:s19] =	ssyncadd.s32 $0xFFFFC000  }
0x60: {  	[spmem:s3] =	stream.indirect.scatter.add.f32 [tilespmem:s17], [sflag:$0x3], $0x80, s29, s16, $0xb8;
	[tilespmem:$0x1E400] =	vst v63  }
0x61: {  	_ =	swait.ge [sflag:s14], $0x4000  }
0x62: {  	[sflag:s14] =	ssyncset.done $0x0  }
0x63: {  	s30 =	simm.s32 $0x100;
	[sflag:s14] =	ssyncadd.s32 $0xFFFFC000  }
0x64: {  	[tilespmem:s17], [sflag:$0x1] =	stream.indirect.gather [hbm4b:s0+s16], $0x80, s30, s16, $0xb8;
	[tilespmem:$0x1E400] =	vst v63  }
0x65: {  	_ =	swait.ge [sflag:s20], $0x4000  }
0x66: {  	[sflag:s20] =	ssyncset.done $0x0  }
0x67: {  	s31 =	simm.s32 $0x1480;
	[sflag:s20] =	ssyncadd.s32 $0xFFFFC000  }
0x68: {  	[spmem:s3] =	stream.indirect.scatter.add.f32 [tilespmem:s18], [sflag:$0x3], $0x80, s31, s16, $0xb8;
	[tilespmem:$0x1E400] =	vst v63  }
0x69: {  	_ =	swait.ge [sflag:s14], $0x4000  }
0x6a: {  	[sflag:s14] =	ssyncset.done $0x0  }
0x6b: {  	s25 =	simm.s32 $0x180;
	s24 =	simm.s32 $0x400;
	[sflag:s14] =	ssyncadd.s32 $0xFFFFC000  }
.LBB2_4:
0x6c: {  	[tilespmem:s18], [sflag:$0x2] =	stream.indirect.gather [hbm4b:s0+s16], $0x80, s25, s16, $0xb8;
	[tilespmem:$0x1E400] =	vst v63  }
0x6d: {  	s25 =	smov.u32 s24  }
0x6e: {  	p0 =	sne.s32 s24, $0x4800;
	s24 =	sadd.s32 $0x400, s24;
	_ =	swait.ge [sflag:s19], $0x4000  }
0x6f: {  	s25 =	sshra.s32 s25, $0x2;
	[sflag:s19] =	ssyncset.done $0x0  }
0x70: {  	s26 =	sadd.s32 $0x1400, s25;
	[sflag:s19] =	ssyncadd.s32 $0xFFFFC000  }
0x71: {  	[spmem:s3] =	stream.indirect.scatter.add.f32 [tilespmem:s17], [sflag:$0x3], $0x80, s26, s16, $0xb8;
	[tilespmem:$0x1E400] =	vst v63  }
0x72: {  	_ =	swait.ge [sflag:s14], $0x4000  }
0x73: {  	[sflag:s14] =	ssyncset.done $0x0  }
0x74: {  	s26 =	sadd.s32 $0x100, s25;
	[sflag:s14] =	ssyncadd.s32 $0xFFFFC000  }
0x75: {  	[tilespmem:s17], [sflag:$0x1] =	stream.indirect.gather [hbm4b:s0+s16], $0x80, s26, s16, $0xb8;
	[tilespmem:$0x1E400] =	vst v63  }
0x76: {  	_ =	swait.ge [sflag:s20], $0x4000  }
0x77: {  	[sflag:s20] =	ssyncset.done $0x0  }
.Ltmp1:
0x78: {  	s26 =	sadd.s32 $0x1480, s25;
	[sflag:s20] =	ssyncadd.s32 $0xFFFFC000;
	(pc) =	sbr.rel @p0 .LBB2_4-.Ltmp1, $4  }
0x79: {  	[spmem:s3] =	stream.indirect.scatter.add.f32 [tilespmem:s18], [sflag:$0x3], $0x80, s26, s16, $0xb8;
	[tilespmem:$0x1E400] =	vst v63  }
0x7a: {  	_ =	swait.ge [sflag:s14], $0x4000  }
0x7b: {  	[sflag:s14] =	ssyncset.done $0x0  }
0x7c: {  	s25 =	sadd.s32 $0x180, s25;
	[sflag:s14] =	ssyncadd.s32 $0xFFFFC000  }
0x7d: {  	[tilespmem:s18], [sflag:$0x2] =	stream.indirect.gather [hbm4b:s0+s16], $0x80, s25, s16, $0xb8;
	[tilespmem:$0x1E400] =	vst v63  }
0x7e: {  	_ =	swait.ge [sflag:s19], $0x4000  }
0x7f: {  	[sflag:s19] =	ssyncset.done $0x0  }
0x80: {  	[sflag:s19] =	ssyncadd.s32 $0xFFFFC000  }
0x81: {  	[spmem:s3] =	stream.indirect.scatter.add.f32 [tilespmem:s17], [sflag:$0x3], $0x80, s21, s16, $0xb8;
	[tilespmem:$0x1E400] =	vst v63  }
0x82: {  	_ =	swait.ge [sflag:s14], $0x4000  }
0x83: {  	[sflag:s14] =	ssyncset.done $0x0  }
0x84: {  	[sflag:s14] =	ssyncadd.s32 $0xFFFFC000  }
0x85: {  	_ =	swait.ge [sflag:s20], $0x4000  }
0x86: {  	[sflag:s20] =	ssyncset.done $0x0  }
0x87: {  	[sflag:s20] =	ssyncadd.s32 $0xFFFFC000  }
0x88: {  	[spmem:s3] =	stream.indirect.scatter.add.f32 [tilespmem:s18], [sflag:$0x3], $0x80, s22, s16, $0xb8;
	[tilespmem:$0x1E400] =	vst v63  }
0x89: {  	_ =	swait.ge [sflag:s14], $0x4000  }
0x8a: {  	s23 =	sadd.s32 $0x1, s23;
	[sflag:s14] =	ssyncset.done $0x0  }
0x8b: {  	p0 =	sne.s32 s23, s8;
	[sflag:s14] =	ssyncadd.s32 $0xFFFFC000  }
.Ltmp2:
0x8c: {  	[bflag:$0x0] =	sbarrier.arrive $0xFFFF;
	(pc) =	sbr.rel @p0 .LBB2_1-.Ltmp2, $4  }
0x8d: {  	[hbm:s7], [sflag:s6] =	dma.local [spmem:s13], $0x2780  }
0x8e: {  	_ =	swait.ge [sflag:s14], $0x2780  }
0x8f: {  	[sflag:s14] =	ssyncset.done $0x0  }
0x90: {  	[sflag:s14] =	ssyncadd.s32 $0xFFFFD880  }
0x91: {  	_ =	sfence.sel $0x180000  }
0x92: {  	[bflag:$0x0] =	sbarrier.arrive $0xFFFF  }
0x93: {  	p0 =	sne.s32 s2, $0x0;
	_ =	strace $0x90000047  }
0x94: {  	s0 =	sadd.s32 @!p0 $0x100000, s1;
	[bflag:$0x2] =	sbarrier.arrive $0xFFFF  }
0x95: {  	[sflag:s0] =	ssyncadd.tile.s32 @!p0 $0x1;
	_ =	shalt  }
.Lfunc_end2:
_tile_overlayer_lowered:
.L_overlay_start_2:
0x96: {  	(tag) =	ssettag $0x2  }
0x97: {  	s0 =	rddreg [dreg:$0x0];
	s2 =	stileid.u32  }
0x98: {  	s1 =	rddreg [dreg:$0x1];
	p0 =	sne.s32 s2, $0x0  }
0x99: {  	s3 =	rddreg [dreg:$0x2];
	[bflag:$0x3] =	sbarrier.arrive $0xFFFF;
	s2 =	simm.s32 @!p0 $0x1C03  }
0x9a: {  	[timem:s3], [sflag:s2] =	dma.local @!p0 [hbm:s0], s1  }
0x9b: {  	s0 =	simm.s32 @!p0 $0x3  }
0x9c: {  	_ =	swait.ge @!p0 [sflag:s0], s1  }
0x9d: {  	s1 =	ssub.s32 @!p0 $0x0, s1;
	[sflag:s0] =	ssyncset.done @!p0 $0x0  }
0x9e: {  	[sflag:s0] =	ssyncadd.s32 @!p0 s1  }
0x9f: {  	[bflag:$0x3] =	sbarrier.arrive $0xFFFF  }
0xa0: {  	_ =	shalt  }

</sc_bundles>
